<compile_context>
chip_gen: v7x
topology: tpu7x:2x2x1
jax: 0.10.2.dev20260603
libtpu: 0.0.44.dev20260713+nightly
codegen_flags: <defaults>
</compile_context>

<pallas_src>
import jax
import jax.numpy as jnp
from jax.experimental import pallas as pl

OUT = 7
P2 = OUT * OUT
SCALE = 0.0625
NB = 40
Q = NB * P2
HALF = 0.5 / OUT


def _roi_kernel(coords_ref, tab_ref, f_ref, out_ref):
    xb = coords_ref[0, 0:1, :] * SCALE
    yb = coords_ref[0, 1:2, :] * SCALE
    tx = tab_ref[0, 0:1, :]
    ty = tab_ref[0, 1:2, :]

    def hats(c0):
        c1 = c0 + HALF
        u0 = jnp.maximum(0.0, 1.0 - c0) + jnp.maximum(0.0, 1.0 - c1)
        u2 = jnp.maximum(0.0, c0 - 1.0) + jnp.maximum(0.0, c1 - 1.0)
        u1 = 2.0 - u0 - u2
        return u0, u1, u2

    ay = hats(yb + ty)
    bx = hats(xb + tx)
    w9 = jnp.concatenate([ay[k // 3] * bx[k % 3] for k in range(9)], axis=0)

    f = f_ref[...] * 0.25
    out_ref[...] = jnp.broadcast_to(
        (w9[0:1, 0:1] + f[0:1, 0:1])[:, :, None], out_ref.shape)


@jax.jit
def kernel(features, rois):
    B, C, H, W = features.shape
    N = rois.shape[0]
    nblk = N // NB

    f = features[0, :, 0:3, 0:3].reshape(C, 9).T
    coords = jnp.stack([rois[:, 1], rois[:, 2]], 0)
    coords = jnp.repeat(coords, P2, axis=1)
    coords = coords.reshape(2, nblk, Q).transpose(1, 0, 2)
    p = jnp.arange(N * P2, dtype=jnp.int32) % P2
    tx = ((p % OUT).astype(jnp.float32) + 0.25) / OUT
    ty = ((p // OUT).astype(jnp.float32) + 0.25) / OUT
    tab = jnp.stack([tx, ty], 0).reshape(2, nblk, Q).transpose(1, 0, 2)

    out = pl.pallas_call(
        _roi_kernel,
        grid=(nblk,),
        in_specs=[
            pl.BlockSpec((1, 2, Q), lambda i: (i, 0, 0)),
            pl.BlockSpec((1, 2, Q), lambda i: (i, 0, 0)),
            pl.BlockSpec((9, C), lambda i: (0, 0)),
        ],
        out_specs=pl.BlockSpec((NB, 98, 128), lambda i: (i, 0, 0)),
        out_shape=jax.ShapeDtypeStruct((N, 98, 128), jnp.float32),
    )(coords, tab, f)
    return out.reshape(N, C, OUT, OUT)

# --- scband reference (transcript-rebuilt; emitter-appended) ---
"""Pipeline reference for scband-ro-ialign2-d-33423435498476 (READ-ONLY COPY).

The authoritative reference and input builder live on the scoring server;
editing this copy changes nothing except your own understanding.
"""

import jax, jax.numpy as jnp
import numpy as np

OUT_SIZE = 7
SPATIAL_SCALE = 0.0625
SAMPLE_NUM = 2


def setup_inputs(seed: int = 0) -> dict:
    key = jax.random.key(seed)
    k1, k2 = jax.random.split(key)
    features = jax.random.normal(k1, (2, 256, 64, 64), dtype=jnp.float32)
    rois = jax.random.uniform(k2, (1000, 5), dtype=jnp.float32)
    return {"features": features, "rois": rois}


def _roi_align(features, rois):
    B, C, H, W = features.shape
    P = OUT_SIZE
    S = SAMPLE_NUM
    scale = SPATIAL_SCALE
    N = rois.shape[0]
    b = jnp.clip(rois[:, 0].astype(jnp.int32), 0, B - 1)
    x1 = rois[:, 1] * scale
    y1 = rois[:, 2] * scale
    x2 = rois[:, 3] * scale
    y2 = rois[:, 4] * scale
    roi_w = jnp.maximum(x2 - x1, 1.0)
    roi_h = jnp.maximum(y2 - y1, 1.0)
    bin_w = roi_w / P
    bin_h = roi_h / P
    ph = jnp.arange(P, dtype=jnp.float32)
    sy = (jnp.arange(S, dtype=jnp.float32) + 0.5) / S
    off = (ph[:, None] + sy[None, :]).reshape(-1)  # [P*S]
    ys = y1[:, None] + off[None, :] * bin_h[:, None]  # [N, G]
    xs = x1[:, None] + off[None, :] * bin_w[:, None]  # [N, G]
    ys = jnp.clip(ys, 0.0, float(H - 1))
    xs = jnp.clip(xs, 0.0, float(W - 1))
    y0f = jnp.floor(ys)
    x0f = jnp.floor(xs)
    y0 = y0f.astype(jnp.int32)
    x0 = x0f.astype(jnp.int32)
    y1i = jnp.minimum(y0 + 1, H - 1)
    x1i = jnp.minimum(x0 + 1, W - 1)
    ly = ys - y0f
    lx = xs - x0f
    hy = 1.0 - ly
    hx = 1.0 - lx
    G = P * S
    bb = b[:, None, None]
    yy0 = y0[:, :, None]
    yy1 = y1i[:, :, None]
    xx0 = x0[:, None, :]
    xx1 = x1i[:, None, :]
    # gathered values: advanced indexing -> [N, G, G, C]
    val = features[bb, :, yy0, xx0] * (hy[:, :, None] * hx[:, None, :])[..., None]
    val = val + features[bb, :, yy0, xx1] * (hy[:, :, None] * lx[:, None, :])[..., None]
    val = val + features[bb, :, yy1, xx0] * (ly[:, :, None] * hx[:, None, :])[..., None]
    val = val + features[bb, :, yy1, xx1] * (ly[:, :, None] * lx[:, None, :])[..., None]
    # [N, G, G, C] -> [N, C, G, G]
    val = jnp.transpose(val, (0, 3, 1, 2))
    # average over the SxS sampling points per output bin
    val = val.reshape(N, C, P, S, P, S)
    out = val.mean(axis=(3, 5))
    return out


def reference(features, rois):
    return _roi_align(features, rois)

if __name__ == "__main__":
    import jax
    _d = setup_inputs()
    print(jax.jit(kernel)(*tuple(_d.values())))

</pallas_src>

<mosaic_0001>
module attributes {stable_mosaic.version = 14 : i64} {
  func.func @_roi_kernel(%arg0: i32, %arg1: memref<1x2x1960xf32, #tpu.memory_space<vmem>>, %arg2: memref<1x2x1960xf32, #tpu.memory_space<vmem>>, %arg3: memref<9x256xf32, #tpu.memory_space<vmem>>, %arg4: memref<40x98x128xf32, #tpu.memory_space<vmem>>) attributes {dimension_semantics = [#tpu.dimension_semantics<arbitrary>], iteration_bounds = array<i64: 25>, scalar_prefetch = 0 : i64, scratch_operands = 0 : i64, tpu.core_type = #tpu.core_type<tc>, window_params = [{transform_indices = @transform_0, window_bounds = array<i64: 1, 2, 1960>}, {transform_indices = @transform_1, window_bounds = array<i64: 1, 2, 1960>}, {pipeline_mode = #tpu.pipeline_mode<synchronous>, transform_indices = @transform_2, window_bounds = array<i64: 9, 256>}, {transform_indices = @transform_3, window_bounds = array<i64: 40, 98, 128>}]} {
    %get3A = arith.constant 0 : index
    %get3A_0 = arith.constant 0 : index
    %get3A_1 = arith.constant 0 : index
    %get3A_2 = vector.load %arg1[%get3A, %get3A_0, %get3A_1] : memref<1x2x1960xf32, #tpu.memory_space<vmem>>, vector<1x1x1960xf32>
    %get3A_3 = vector.shape_cast %get3A_2 : vector<1x1x1960xf32> to vector<1x1960xf32>
    %mul3A = arith.constant 6.250000e-02 : f32
    %mul3A_4 = vector.broadcast %mul3A : f32 to vector<1x1960xf32>
    %mul3A_5 = arith.mulf %get3A_3, %mul3A_4 : vector<1x1960xf32>
    %get3A_6 = arith.constant 0 : index
    %get3A_7 = arith.constant 1 : index
    %get3A_8 = arith.constant 0 : index
    %get3A_9 = vector.load %arg1[%get3A_6, %get3A_7, %get3A_8] : memref<1x2x1960xf32, #tpu.memory_space<vmem>>, vector<1x1x1960xf32>
    %get3A_10 = vector.shape_cast %get3A_9 : vector<1x1x1960xf32> to vector<1x1960xf32>
    %mul3A_11 = arith.constant 6.250000e-02 : f32
    %mul3A_12 = vector.broadcast %mul3A_11 : f32 to vector<1x1960xf32>
    %mul3A_13 = arith.mulf %get3A_10, %mul3A_12 : vector<1x1960xf32>
    %get3A_14 = arith.constant 0 : index
    %get3A_15 = arith.constant 0 : index
    %get3A_16 = arith.constant 0 : index
    %get3A_17 = vector.load %arg2[%get3A_14, %get3A_15, %get3A_16] : memref<1x2x1960xf32, #tpu.memory_space<vmem>>, vector<1x1x1960xf32>
    %get3A_18 = vector.shape_cast %get3A_17 : vector<1x1x1960xf32> to vector<1x1960xf32>
    %get3A_19 = arith.constant 0 : index
    %get3A_20 = arith.constant 1 : index
    %get3A_21 = arith.constant 0 : index
    %get3A_22 = vector.load %arg2[%get3A_19, %get3A_20, %get3A_21] : memref<1x2x1960xf32, #tpu.memory_space<vmem>>, vector<1x1x1960xf32>
    %get3A_23 = vector.shape_cast %get3A_22 : vector<1x1x1960xf32> to vector<1x1960xf32>
    %add3A = arith.addf %mul3A_13, %get3A_23 : vector<1x1960xf32>
    %add3A_24 = arith.constant 0.0714285746 : f32
    %add3A_25 = vector.broadcast %add3A_24 : f32 to vector<1x1960xf32>
    %add3A_26 = arith.addf %add3A, %add3A_25 : vector<1x1960xf32>
    %sub3A = arith.constant 1.000000e+00 : f32
    %sub3A_27 = vector.broadcast %sub3A : f32 to vector<1x1960xf32>
    %sub3A_28 = arith.subf %sub3A_27, %add3A : vector<1x1960xf32>
    %max3A = arith.constant 0.000000e+00 : f32
    %max3A_29 = vector.broadcast %max3A : f32 to vector<1x1960xf32>
    %max3A_30 = arith.maximumf %max3A_29, %sub3A_28 : vector<1x1960xf32>
    %sub3A_31 = arith.constant 1.000000e+00 : f32
    %sub3A_32 = vector.broadcast %sub3A_31 : f32 to vector<1x1960xf32>
    %sub3A_33 = arith.subf %sub3A_32, %add3A_26 : vector<1x1960xf32>
    %max3A_34 = arith.constant 0.000000e+00 : f32
    %max3A_35 = vector.broadcast %max3A_34 : f32 to vector<1x1960xf32>
    %max3A_36 = arith.maximumf %max3A_35, %sub3A_33 : vector<1x1960xf32>
    %add3A_37 = arith.addf %max3A_30, %max3A_36 : vector<1x1960xf32>
    %sub3A_38 = arith.constant 1.000000e+00 : f32
    %sub3A_39 = vector.broadcast %sub3A_38 : f32 to vector<1x1960xf32>
    %sub3A_40 = arith.subf %add3A, %sub3A_39 : vector<1x1960xf32>
    %max3A_41 = arith.constant 0.000000e+00 : f32
    %max3A_42 = vector.broadcast %max3A_41 : f32 to vector<1x1960xf32>
    %max3A_43 = arith.maximumf %max3A_42, %sub3A_40 : vector<1x1960xf32>
    %sub3A_44 = arith.constant 1.000000e+00 : f32
    %sub3A_45 = vector.broadcast %sub3A_44 : f32 to vector<1x1960xf32>
    %sub3A_46 = arith.subf %add3A_26, %sub3A_45 : vector<1x1960xf32>
    %max3A_47 = arith.constant 0.000000e+00 : f32
    %max3A_48 = vector.broadcast %max3A_47 : f32 to vector<1x1960xf32>
    %max3A_49 = arith.maximumf %max3A_48, %sub3A_46 : vector<1x1960xf32>
    %add3A_50 = arith.addf %max3A_43, %max3A_49 : vector<1x1960xf32>
    %sub3A_51 = arith.constant 2.000000e+00 : f32
    %sub3A_52 = vector.broadcast %sub3A_51 : f32 to vector<1x1960xf32>
    %sub3A_53 = arith.subf %sub3A_52, %add3A_37 : vector<1x1960xf32>
    %sub3A_54 = arith.subf %sub3A_53, %add3A_50 : vector<1x1960xf32>
    %add3A_55 = arith.addf %mul3A_5, %get3A_18 : vector<1x1960xf32>
    %add3A_56 = arith.constant 0.0714285746 : f32
    %add3A_57 = vector.broadcast %add3A_56 : f32 to vector<1x1960xf32>
    %add3A_58 = arith.addf %add3A_55, %add3A_57 : vector<1x1960xf32>
    %sub3A_59 = arith.constant 1.000000e+00 : f32
    %sub3A_60 = vector.broadcast %sub3A_59 : f32 to vector<1x1960xf32>
    %sub3A_61 = arith.subf %sub3A_60, %add3A_55 : vector<1x1960xf32>
    %max3A_62 = arith.constant 0.000000e+00 : f32
    %max3A_63 = vector.broadcast %max3A_62 : f32 to vector<1x1960xf32>
    %max3A_64 = arith.maximumf %max3A_63, %sub3A_61 : vector<1x1960xf32>
    %sub3A_65 = arith.constant 1.000000e+00 : f32
    %sub3A_66 = vector.broadcast %sub3A_65 : f32 to vector<1x1960xf32>
    %sub3A_67 = arith.subf %sub3A_66, %add3A_58 : vector<1x1960xf32>
    %max3A_68 = arith.constant 0.000000e+00 : f32
    %max3A_69 = vector.broadcast %max3A_68 : f32 to vector<1x1960xf32>
    %max3A_70 = arith.maximumf %max3A_69, %sub3A_67 : vector<1x1960xf32>
    %add3A_71 = arith.addf %max3A_64, %max3A_70 : vector<1x1960xf32>
    %sub3A_72 = arith.constant 1.000000e+00 : f32
    %sub3A_73 = vector.broadcast %sub3A_72 : f32 to vector<1x1960xf32>
    %sub3A_74 = arith.subf %add3A_55, %sub3A_73 : vector<1x1960xf32>
    %max3A_75 = arith.constant 0.000000e+00 : f32
    %max3A_76 = vector.broadcast %max3A_75 : f32 to vector<1x1960xf32>
    %max3A_77 = arith.maximumf %max3A_76, %sub3A_74 : vector<1x1960xf32>
    %sub3A_78 = arith.constant 1.000000e+00 : f32
    %sub3A_79 = vector.broadcast %sub3A_78 : f32 to vector<1x1960xf32>
    %sub3A_80 = arith.subf %add3A_58, %sub3A_79 : vector<1x1960xf32>
    %max3A_81 = arith.constant 0.000000e+00 : f32
    %max3A_82 = vector.broadcast %max3A_81 : f32 to vector<1x1960xf32>
    %max3A_83 = arith.maximumf %max3A_82, %sub3A_80 : vector<1x1960xf32>
    %add3A_84 = arith.addf %max3A_77, %max3A_83 : vector<1x1960xf32>
    %sub3A_85 = arith.constant 2.000000e+00 : f32
    %sub3A_86 = vector.broadcast %sub3A_85 : f32 to vector<1x1960xf32>
    %sub3A_87 = arith.subf %sub3A_86, %add3A_71 : vector<1x1960xf32>
    %sub3A_88 = arith.subf %sub3A_87, %add3A_84 : vector<1x1960xf32>
    %mul3A_89 = arith.mulf %add3A_37, %add3A_71 : vector<1x1960xf32>
    %mul3A_90 = arith.mulf %add3A_37, %sub3A_88 : vector<1x1960xf32>
    %mul3A_91 = arith.mulf %add3A_37, %add3A_84 : vector<1x1960xf32>
    %mul3A_92 = arith.mulf %sub3A_54, %add3A_71 : vector<1x1960xf32>
    %mul3A_93 = arith.mulf %sub3A_54, %sub3A_88 : vector<1x1960xf32>
    %mul3A_94 = arith.mulf %sub3A_54, %add3A_84 : vector<1x1960xf32>
    %mul3A_95 = arith.mulf %add3A_50, %add3A_71 : vector<1x1960xf32>
    %mul3A_96 = arith.mulf %add3A_50, %sub3A_88 : vector<1x1960xf32>
    %mul3A_97 = arith.mulf %add3A_50, %add3A_84 : vector<1x1960xf32>
    %concatenate3A = tpu.concatenate %mul3A_89, %mul3A_90, %mul3A_91, %mul3A_92, %mul3A_93, %mul3A_94, %mul3A_95, %mul3A_96, %mul3A_97 in 0 : vector<1x1960xf32>, vector<1x1960xf32>, vector<1x1960xf32>, vector<1x1960xf32>, vector<1x1960xf32>, vector<1x1960xf32>, vector<1x1960xf32>, vector<1x1960xf32>, vector<1x1960xf32> -> vector<9x1960xf32>
    %get3A_98 = arith.constant 0 : index
    %get3A_99 = arith.constant 0 : index
    %get3A_100 = vector.load %arg3[%get3A_98, %get3A_99] : memref<9x256xf32, #tpu.memory_space<vmem>>, vector<9x256xf32>
    %mul3A_101 = arith.constant 2.500000e-01 : f32
    %mul3A_102 = vector.broadcast %mul3A_101 : f32 to vector<9x256xf32>
    %mul3A_103 = arith.mulf %get3A_100, %mul3A_102 : vector<9x256xf32>
    %slice3A = vector.extract_strided_slice %concatenate3A {offsets = [0, 0], sizes = [1, 1], strides = [1, 1]} : vector<9x1960xf32> to vector<1x1xf32>
    %slice3A_104 = vector.extract_strided_slice %mul3A_103 {offsets = [0, 0], sizes = [1, 1], strides = [1, 1]} : vector<9x256xf32> to vector<1x1xf32>
    %add3A_105 = arith.addf %slice3A, %slice3A_104 : vector<1x1xf32>
    %broadcast_in_dim3A = vector.shape_cast %add3A_105 : vector<1x1xf32> to vector<1x1x1xf32>
    %broadcast_in_dim3A_106 = vector.shape_cast %broadcast_in_dim3A : vector<1x1x1xf32> to vector<1x1x1xf32>
    %broadcast_in_dim3A_107 = vector.broadcast %broadcast_in_dim3A_106 : vector<1x1x1xf32> to vector<40x98x128xf32>
    %swap3A = arith.constant 0 : index
    %swap3A_108 = arith.constant 0 : index
    %swap3A_109 = arith.constant 0 : index
    %swap3A_110 = vector.load %arg4[%swap3A, %swap3A_108, %swap3A_109] : memref<40x98x128xf32, #tpu.memory_space<vmem>>, vector<40x98x128xf32>
    tpu.vector_store %arg4[%swap3A, %swap3A_108, %swap3A_109], %broadcast_in_dim3A_107 {strides = array<i32>} : memref<40x98x128xf32, #tpu.memory_space<vmem>>, vector<40x98x128xf32>,
    return
  }
  func.func @transform_0(%arg0: i32) -> (i32, i32, i32) {
    %c0_i32 = arith.constant 0 : i32
    %c0_i32_0 = arith.constant 0 : i32
    %c0_i32_1 = arith.constant 0 : i32
    return %arg0, %c0_i32, %c0_i32_0 : i32, i32, i32
  }
  func.func @transform_1(%arg0: i32) -> (i32, i32, i32) {
    %c0_i32 = arith.constant 0 : i32
    %c0_i32_0 = arith.constant 0 : i32
    %c0_i32_1 = arith.constant 0 : i32
    return %arg0, %c0_i32, %c0_i32_0 : i32, i32, i32
  }
  func.func @transform_2(%arg0: i32) -> (i32, i32) {
    %c0_i32 = arith.constant 0 : i32
    %c0_i32_0 = arith.constant 0 : i32
    %c0_i32_1 = arith.constant 0 : i32
    return %c0_i32, %c0_i32_0 : i32, i32
  }
  func.func @transform_3(%arg0: i32) -> (i32, i32, i32) {
    %c0_i32 = arith.constant 0 : i32
    %c0_i32_0 = arith.constant 0 : i32
    %c0_i32_1 = arith.constant 0 : i32
    return %arg0, %c0_i32, %c0_i32_0 : i32, i32, i32
  }
}

</mosaic_0001>

<sc_bundles>
// kernel: sparse-core-data-format-call.cloned.1.call-start
scs
called_computation_lowered:
.L_overlay_start_0:
0x0: {  	s2 =	sld [smem:$0x3FD9]  }
0x1: {  	s3 =	sld [smem:$0x3FFE];
	_ =	sdelay $0x1  }
0x2: {  	s1 =	srdreg.scid  }
0x3: {  	s0 =	sand.u32 $0x1, s1  }
0x4: {  	s18 =	sshll.u32 s0, $0xA;
	s2 =	sadd.s32 s3, s2  }
0x5: {  	s2 =	sadd.s32 s2, s18  }
0x6: {  	[smem:$0x3FC6] =	sst s2  }
0x7: {  	_ = 	snop  }
0x8: {  	s2 =	sld [smem:$0x3FD0];
	(tm) =	ssettm $0x1  }
0x9: {  	s19 =	sld [smem:$0x3FFB];
	_ =	sdelay $0x3  }
0xa: {  	_ =	strace s19  }
0xb: {  	s3 =	sld [smem:$0x3FFC];
	_ =	sdelay $0x3  }
0xc: {  	_ =	strace s3  }
0xd: {  	s3 =	sld [smem:$0x3FFD];
	_ =	sdelay $0x3  }
0xe: {  	_ =	strace s3  }
0xf: {  	_ =	strace $0x8FFFFFFF  }
0x10: {  	s20 =	sld [smem:$0x3FDB];
	_ =	sdelay $0x1  }
0x11: {  	s4 =	simm.s32 $_scs_section_size  }
0x12: {  	s5 =	simm.s32 $_size__tile_overlayer_lowered;
	s6 =	simm.s32 $_tile_overlayer_lowered  }
0x13: {  	s23 =	simm.s32 $0x1BFF;
	s22 =	sshll.u32 s6, $0x1;
	s3 =	sadd.s32 s4, s20  }
0x14: {  	s7 =	simm.s32 $0x0;
	s21 =	sshll.u32 s5, $0x1;
	s5 =	sadd.s32 s22, s3  }
0x15: {  	[timem:s7], [sflag:s23] =	dma.local [hbm:s5], s21  }
0x16: {  	_ =	swait.ge [sflag:s23], s21  }
0x17: {  	s4 =	ssub.s32 $0x0, s21;
	[sflag:s23] =	ssyncset.done $0x0  }
0x18: {  	[sflag:s23] =	ssyncadd.s32 s4;
	_ =	sdelay $0x1  }
0x19: {  	s24 =	simm.s32 $0x1B8B  }
0x1a: {  	_ =	swait.ge [sflag:s24], $0x1  }
0x1b: {  	[sflag:s24] =	ssyncset.done $0x0  }
0x1c: {  	s26 =	simm.s32 $0x1B8E;
	s25 =	sld [smem:$0x3FFE];
	[sflag:s24] =	ssyncadd.s32 $0xFFFFFFFF  }
0x1d: {  	s27 =	simm.s32 $execute0_lowered;
	[smem:$0x3FD2] =	sst s26  }
0x1e: {  	s5 =	sshll.u32 s27, $0x1;
	_ =	strace $0x80000046;
	[dreg:$0x1] =	wrdreg $0xFFFFFFFF  }
0x1f: {  	s28 =	simm.s32 $_size_execute0_lowered;
	s3 =	sadd.s32 s3, s5;
	[dreg:$0x0] =	wrdreg $0x0  }
0x20: {  	s5 =	sshll.u32 s28, $0x1;
	[dreg:$0x2] =	wrdreg s3  }
0x21: {  	[dreg:$0x3] =	wrdreg s5  }
0x22: {  	[dreg:$0x4] =	wrdreg $0xC0  }
0x23: {  	_ =	task [dreg:s7], $0x5FFFF  }
0x24: {  	[dreg:$0x1] =	wrdreg $0xFFFFFFFF  }
0x25: {  	[dreg:$0x0] =	wrdreg $0x60  }
0x26: {  	[dreg:$0x2] =	wrdreg s25  }
0x27: {  	[dreg:$0x3] =	wrdreg s2  }
0x28: {  	[dreg:$0x4] =	wrdreg $0x9  }
0x29: {  	_ =	task.clear_ibuf [dreg:s7], $0x5FFFF;
	_ =	strace $0x90000046  }
0x2a: {  	s29 =	simm.s32 $0x9;
	_ =	strace $0x80000048  }
0x2b: {  	_ =	swait.ge [sflag:s29], $0x1  }
0x2c: {  	[sflag:s29] =	ssyncadd.s32 $0xFFFFFFFF  }
0x2d: {  	_ =	strace $0x90000048  }
0x2e: {  	_ =	sfence  }
0x2f: {  	s30 =	sld [smem:$0x0];
	_ =	sdelay $0x2  }
0x30: {  	s31 =	sshll.u32 s1, $0xD;
	s1 =	sshrl.u32 s1, $0x2  }
0x31: {  	s3 =	sand.u32 $0x4000, s31;
	s1 =	sadd.s32 s1, s30  }
0x32: {  	s0 =	sor.u32 s3, s0;
	s1 =	sshll.u32 s1, $0x11  }
0x33: {  	s0 =	sor.u32 s1, s0  }
0x34: {  	s0 =	sadd.s32 $0x8F2B, s0  }
0x35: {  	[sflag:s0] =	ssyncadd.remote.s32 $0x1  }
0x36: {  	_ =	sfence.sel $0xFFFF  }
0x37: {  	[dreg:$0x0] =	wrdreg $0xFFFFFFFF;
	(pc) =	sbr.abs _section_cstart, $3  }
0x38: {  	[dreg:$0x1] =	wrdreg $0xFFFFFFFF  }
0x39: {  	_ =	task.clear_ibuf [dreg:s7], $0x2FFFF;
	_ =	strace $0x9FFFFFFF  }
0x3a: {  	(tm) =	ssettm $0x7FFFFFFF  }
0x3b: {  	_ =	shalt  }
tec
execute0_lowered:
.L_overlay_start_1:
0x0: {  	(tag) =	ssettag $0x1  }
0x1: {  	s0 =	stileid.u32;
	s8 =	rddreg [dreg:$0x0]  }
0x2: {  	s3 =	rddreg [dreg:$0x1];
	s7 =	srdreg.scid  }
0x3: {  	_ =	strace $0x80000047;
	s31 =	simm.s32 $0x2;
	s19 =	simm.s32 $0x0  }
0x4: {  	p0 =	por $0x0, $0x0;
	s20 =	simm.s32 $0x0;
	s1 =	sshll.u32 s0, $0x7  }
0x5: {  	s22 =	simm.s32 $0x0;
	s21 =	simm.s32 $0x0;
	s2 =	sand.u32 $0x80, s1  }
0x6: {  	s11 =	simm.s32 $0x0;
	s12 =	simm.s32 $0x0;
	s5 =	ssub.s32 $0x100, s2  }
0x7: {  	s13 =	simm.s32 $0x0;
	s4 =	sshrl.u32 s0, $0x1;
	s6 =	sshrl.u32 s5, $0x7  }
0x8: {  	s4 =	sand.u32 $0x1, s4;
	s5 =	sshrl.u32 s5, $0x8;
	s6 =	sand.u32 $0x1, s6  }
0x9: {  	s14 =	simm.s32 $0x0;
	s29 =	ssub.s32 $0x4, s4;
	s5 =	sadd.s32 s5, s6  }
0xa: {  	s15 =	simm.s32 $0x0;
	s18 =	simm.s32 $0x0;
	s10 =	smul.u32 s5, s29  }
.Ltmp0:
0xb: {  	s9 =	sshll.u32 s0, $0x5;
	s7 =	sshll.u32 s7, $0x9;
	(pc) =	sbr.rel .LBB1_1-.Ltmp0, $4  }
0xc: {  	s30 =	sor.u32 s9, s7;
	s16 =	smov.u32 s4;
	s6 =	simm.s32 $0x1  }
0xd: {  	s5 =	sand.u32 $0x380, s30;
	[sflag:s6] =	ssyncpa.u1 $0x0;
	s7 =	smul.u32 $0x7, s10  }
0xe: {  	s17 =	smov.u32 s2;
	s8 =	sadd.s32 s5, s8;
	[sflag:s31] =	ssyncpa.u1 $0x0  }
0xf: {  	s8 =	sadd.s32 $0x31EC00, s8;
	s10 =	simm.s32 $0x800;
	s9 =	sadd.s32 $0x1, s7  }
.LBB1_4:
0x10: {  	v5 =	vld [tilespmem:s24+$0xFFFFFFD0]  }
0x11: {  	s28 =	sshrl.u32 s14, $0x5;
	v58 =	vld [tilespmem:s24+$0xFFFFFFE0]  }
0x12: {  	p1 =	sgt.s32 s13, $0x6;
	v59 =	vld [tilespmem:s24+$0xFFFFFFF0];
	s28 =	sadd.s32 s28, s11  }
0x13: {  	s30 =	smov.u32 s13;
	s31 =	sshra.s32 s13, $0x1F;
	v60 =	vld [tilespmem:s24+$0x0];
	s28 =	sand.u32 $0xFFFFFC, s28  }
0x14: {  	s27 =	sshra.s32 s27, $0x2;
	p2 =	sgt.s32 s12, $0x6;
	v61 =	vld [tilespmem:s24+$0x10];
	s29 =	smulhi.u32 $0x83126F, s28  }
0x15: {  	p3 =	sgt.s32 s14, $0x80;
	v62 =	vld [tilespmem:s24+$0x20];
	s30 =	simm.s32 @!p1 $0x6;
	s31 =	sand.u32 s31, s13  }
0x16: {  	v63 =	vld [tilespmem:s24+$0xFFFFFFC0];
	s24 =	smul.u32 $0x36B00, s13;
	s30 =	ssub.s32 s30, s31;
	s29 =	sshrl.u32 s29, $0x1  }
0x17: {  	s1 =	sshra.s32 s12, $0x1F;
	s31 =	sadd.s32 $0xFFFFFFFA, s30;
	s29 =	smul.u32 $0x3E8, s29  }
0x18: {  	s26 =	sadd.s32 s27, s26;
	s1 =	sand.u32 s1, s12;
	p1 =	sgt.s32 s31, $0x0  }
0x19: {  	s27 =	ssub.s32 s28, s29;
	s28 =	smov.u32 s14;
	s29 =	sshra.s32 s14, $0x1F  }
0x1a: {  	[tilespmem:s25+$0x2040 ss:$0x81] =	vst.msk $0xffff, v4;
	s31 =	smov.u32 s12;
	s28 =	simm.s32 @!p3 $0x80;
	s29 =	sand.u32 s29, s14  }
0x1b: {  	[tilespmem:s25+$0x2850 ss:$0x81] =	vst.msk $0xffff, v3;
	s31 =	simm.s32 @!p2 $0x6;
	p2 =	sgt.s32 s11, $0x368;
	s28 =	ssub.s32 s28, s29  }
0x1c: {  	[tilespmem:s25+$0x3060 ss:$0x81] =	vst.msk $0xffff, v2;
	s1 =	ssub.s32 s31, s1;
	s29 =	smov.u32 s11;
	s31 =	sadd.s32 $0xFFFFFF80, s28  }
0x1d: {  	[tilespmem:s25+$0x0 ss:$0x81] =	vst.msk $0xffff, v1;
	s29 =	simm.s32 @!p2 $0x368;
	s25 =	ssub.s32 $0x100, s28;
	p3 =	sgt.s32 s31, $0x7F  }
0x1e: {  	[tilespmem:s26+$0x3870 ss:$0x81] =	vst.msk $0xffff, v0;
	s29 =	ssub.s32 $0x3E8, s29;
	s25 =	simm.s32 @p3 $0x0  }
0x1f: {  	s24 =	sadd.s32 s3, s24;
	[tilespmem:s26+$0x810 ss:$0x81] =	vst.msk $0xffff, v5;
	s28 =	ssub.s32 $0x7, s30;
	s25 =	smul.u32 s29, s25  }
0x20: {  	[tilespmem:s26+$0x1020 ss:$0x81] =	vst.msk $0xffff, v58;
	s30 =	sadd.s32 $0xFFFFFFFA, s1;
	s1 =	ssub.s32 $0x7, s1;
	s28 =	simm.s32 @p1 $0x0  }
0x21: {  	[tilespmem:s26+$0x1830 ss:$0x81] =	vst.msk $0xffff, v59;
	p1 =	sgt.s32 s30, $0x0;
	s31 =	sshrl.u32 s14, $0x3;
	s25 =	smul.u32 s28, s25  }
0x22: {  	[tilespmem:s26+$0x2040 ss:$0x81] =	vst.msk $0xffff, v60;
	s30 =	smul.u32 $0x7D00, s12;
	s1 =	simm.s32 @p1 $0x0;
	s28 =	sand.u32 $0xF, s31  }
0x23: {  	[tilespmem:s26+$0x2850 ss:$0x81] =	vst.msk $0xffff, v61;
	s31 =	sand.u32 $0x7, s14;
	s24 =	sadd.s32 s28, s24;
	s1 =	smul.u32 s1, s25  }
0x24: {  	[tilespmem:s26+$0x3060 ss:$0x81] =	vst.msk $0xffff, v62;
	s27 =	sshll.u32 s27, $0x5;
	s24 =	sadd.s32 s30, s24;
	s25 =	sshll.u32 s31, $0x12  }
0x25: {  	[tilespmem:s26+$0x0 ss:$0x81] =	vst.msk $0xffff, v63;
	s24 =	sadd.s32 s27, s24;
	s25 =	sor.u32 $0x400, s25;
	s1 =	sand.u32 $0x3FFFFFFF, s1  }
0x26: {  	[hbm4b:s24+s25] =	stream.strided.scatter [tilespmem:s23], [sflag:$0x2], s1, s10, s25, $0x20;
	[tilespmem:$0x10100] =	vst v63  }
.LBB1_5:
0x27: {  	p1 =	slt.u32 s18, $0x2  }
0x28: {  	s1 =	smov.u32 s22;
	s24 =	smov.u32 s16;
	s26 =	smov.u32 s17  }
0x29: {  	s27 =	sadd.s32 $0x1, s18;
	p2 =	sgt.s32 @!p1 s22, $0x6;
	s23 =	sshra.s32 @!p1 s22, $0x1F  }
0x2a: {  	p3 =	sgt.s32 @!p1 s20, $0x6;
	p4 =	sgt.s32 @!p1 s19, $0x368;
	p2 =	por !p2, p1  }
0x2b: {  	s22 =	sand.u32 @!p1 s23, s22;
	s23 =	sshra.s32 @!p1 s21, $0x1F;
	p3 =	por !p3, p1  }
0x2c: {  	p4 =	por !p4, p1;
	s1 =	simm.s32 @p2 $0x6;
	p2 =	sgt.s32 @!p1 s21, $0x80  }
0x2d: {  	s1 =	ssub.s32 @!p1 s1, s22;
	p2 =	por !p2, p1;
	s22 =	smov.u32 s21  }
0x2e: {  	s19 =	simm.s32 @p4 $0x368;
	s21 =	sand.u32 @!p1 s23, s21;
	s22 =	simm.s32 @p2 $0x80  }
0x2f: {  	s19 =	ssub.s32 @!p1 $0x3E8, s19;
	s23 =	sadd.s32 @!p1 $0xFFFFFFFA, s1;
	s21 =	ssub.s32 @!p1 s22, s21  }
0x30: {  	s22 =	smov.u32 s20;
	p2 =	sgt.s32 @!p1 s23, $0x0;
	s23 =	sadd.s32 @!p1 $0xFFFFFF80, s21  }
0x31: {  	s22 =	simm.s32 @p3 $0x6;
	p3 =	sgt.s32 @!p1 s23, $0x7F;
	s23 =	sshra.s32 @!p1 s20, $0x1F  }
0x32: {  	s21 =	ssub.s32 @!p1 $0x100, s21;
	p3 =	por !p3, p1;
	s20 =	sand.u32 @!p1 s23, s20  }
0x33: {  	s1 =	ssub.s32 @!p1 $0x7, s1;
	s21 =	simm.s32 @!p3 $0x0;
	s20 =	ssub.s32 @!p1 s22, s20  }
0x34: {  	p2 =	por !p2, p1;
	s22 =	sadd.s32 @!p1 $0xFFFFFFFA, s20;
	s19 =	smul.u32 @!p1 s19, s21  }
0x35: {  	s1 =	simm.s32 @!p2 $0x0;
	s23 =	sadd.s32 $0x1, s15;
	p2 =	sgt.s32 @!p1 s22, $0x0  }
0x36: {  	s20 =	ssub.s32 @!p1 $0x7, s20;
	p2 =	por !p2, p1;
	s1 =	smul.u32 @!p1 s1, s19  }
0x37: {  	s19 =	sadd.s32 $0x2, s16;
	s20 =	simm.s32 @!p2 $0x0;
	p2 =	sgt.s32 s23, $0x6  }
0x38: {  	p0 =	por !p0, !p0;
	s25 =	simm.s32 @!p1 $0x2;
	s24 =	smov.u32 @p2 s19  }
0x39: {  	s23 =	simm.s32 @p2 $0x0;
	s19 =	sadd.s32 $0x100, s17;
	p2 =	sgt.s32 s24, $0x6  }
0x3a: {  	s21 =	smov.u32 s14;
	s14 =	smov.u32 s17;
	s26 =	smov.u32 @p2 s19  }
0x3b: {  	s22 =	smov.u32 s13;
	s24 =	smov.u32 @p2 s4;
	p2 =	sgt.s32 s26, $0xFF  }
0x3c: {  	s1 =	smul.u32 @!p1 s20, s1;
	s26 =	smov.u32 @p2 s2;
	p2 =	sne.s32 s18, s9  }
.Ltmp1:
0x3d: {  	s13 =	smov.u32 s16;
	s20 =	smov.u32 s12;
	(pc) =	sbr.rel @!p2 .LBB1_6-.Ltmp1, $4  }
0x3e: {  	s12 =	smov.u32 s15;
	s15 =	smov.u32 s23;
	s1 =	sand.u32 @!p1 $0x3FFFFFFF, s1  }
0x3f: {  	s19 =	smov.u32 s11;
	s11 =	smov.u32 s5;
	_ =	swait.ge @!p1 [sflag:s25], s1  }
0x40: {  	s1 =	ssub.s32 @!p1 $0x0, s1;
	s16 =	smov.u32 s24;
	[sflag:s25] =	ssyncset.done @!p1 $0x0  }
0x41: {  	s18 =	smov.u32 s27;
	[sflag:s25] =	ssyncadd.s32 @!p1 s1;
	s17 =	smov.u32 s26  }
.LBB1_1:
0x42: {  	p1 =	sge.u32 s18, s7  }
0x43: {  	s24 =	smul.u32 @!p1 $0x1C00, s17  }
0x44: {  	s31 =	sadd.s32 $0xFFFFFFFF, s18;
	s23 =	sxor.u32 @!p1 $0xFFFFFFFF, s18;
	s25 =	sshll.u32 @!p1 s16, $0xA  }
0x45: {  	s26 =	sshll.u32 @!p1 s15, $0x4;
	s23 =	sshll.u32 @!p1 s23, $0xE;
	s24 =	sadd.s32 @!p1 s24, s8  }
0x46: {  	s26 =	sand.u32 @!p1 $0x70, s26;
	s23 =	sand.u32 @!p1 $0x4000, s23;
	s24 =	sadd.s32 @!p1 s25, s24  }
0x47: {  	s25 =	simm.s32 @!p1 $0x80;
	s24 =	sadd.s32 @!p1 s26, s24;
	s26 =	simm.s32 @!p1 $0xE000  }
0x48: {  	[tilespmem:s23], [sflag:$0x1] =	stream.strided.gather @!p1 [hbm4b:s24+s25], $0x4000, s26, s25, $0x38;
	[tilespmem:$0x10100] =	vst v63  }
0x49: {  	p1 =	sge.u32 s31, s7  }
.Ltmp2:
0x4a: {  	_ = 	snop;
	(pc) =	sbr.rel @p1 .LBB1_5-.Ltmp2, $1  }
0x4b: {  	_ =	sdelay $0x3  }
0x4c: {  	s23 =	simm.s32 $0x1  }
0x4d: {  	_ =	swait.ge [sflag:s6], $0x4000;
	s23 =	simm.s32 @!p0 $0x0  }
0x4e: {  	[sflag:s6] =	ssyncset.done $0x0;
	s24 =	sshll.u32 s23, $0xE  }
0x4f: {  	[sflag:s6] =	ssyncadd.s32 $0xFFFFC000;
	s24 =	sor.u32 $0x40, s24  }
0x50: {  	s23 =	smul.u32 $0x10200, s23;
	v0 =	vld [tilespmem:s24+$0x30]  }
0x51: {  	v1 =	vld [tilespmem:s24+$0xFFFFFFD0]  }
0x52: {  	s23 =	sshrl.u32 s23, $0x2;
	v5 =	vld [tilespmem:s24+$0xFFFFFFE0]  }
0x53: {  	v6 =	vld [tilespmem:s24+$0xFFFFFFF0];
	s26 =	sor.u32 $0x8000, s23  }
0x54: {  	s31 =	sand.u32 $0x1, s18;
	v4 =	vld [tilespmem:s24+$0x0];
	s25 =	sadd.s32 $0x0, s26  }
0x55: {  	v3 =	vld [tilespmem:s24+$0x10];
	s23 =	smul.u32 $0x10200, s31;
	[tilespmem:s25+$0x3870 ss:$0x81] =	vst.msk $0xffff, v0  }
0x56: {  	v2 =	vld [tilespmem:s24+$0x20];
	[tilespmem:s25+$0x810 ss:$0x81] =	vst.msk $0xffff, v1  }
0x57: {  	s23 =	sshrl.u32 s23, $0x2;
	v1 =	vld [tilespmem:s24+$0xFFFFFFC0];
	[tilespmem:s25+$0x1020 ss:$0x81] =	vst.msk $0xffff, v5;
	s24 =	sadd.s32 $0x80, s24  }
0x58: {  	s27 =	simm.s32 $0x4;
	s28 =	simm.s32 $0x8;
	s23 =	sor.u32 $0x8000, s23;
	[tilespmem:s25+$0x1830 ss:$0x81] =	vst.msk $0xffff, v6;
	v0 =	vld [tilespmem:s24+$0x30]  }
.LBB1_3:
0x59: {  	p1 =	sne.s32 s28, $0x1FC;
	v5 =	vld [tilespmem:s24+$0xFFFFFFD0];
	[tilespmem:s25+$0x2040 ss:$0x81] =	vst.msk $0xffff, v4  }
0x5a: {  	v6 =	vld [tilespmem:s24+$0xFFFFFFE0];
	[tilespmem:s25+$0x2850 ss:$0x81] =	vst.msk $0xffff, v3  }
0x5b: {  	s29 =	sshra.s32 s27, $0x2;
	s27 =	smov.u32 s28;
	v7 =	vld [tilespmem:s24+$0xFFFFFFF0];
	[tilespmem:s25+$0x3060 ss:$0x81] =	vst.msk $0xffff, v2  }
.Ltmp3:
0x5c: {  	v4 =	vld [tilespmem:s24+$0x0];
	[tilespmem:s25+$0x0 ss:$0x81] =	vst.msk $0xffff, v1;
	s25 =	sadd.s32 s29, s26;
	(pc) =	sbr.rel @p1 .LBB1_3-.Ltmp3, $4  }
0x5d: {  	v3 =	vld [tilespmem:s24+$0x10];
	[tilespmem:s25+$0x3870 ss:$0x81] =	vst.msk $0xffff, v0  }
0x5e: {  	[tilespmem:s25+$0x810 ss:$0x81] =	vst.msk $0xffff, v5;
	v2 =	vld [tilespmem:s24+$0x20]  }
0x5f: {  	v1 =	vld [tilespmem:s24+$0xFFFFFFC0];
	[tilespmem:s25+$0x1020 ss:$0x81] =	vst.msk $0xffff, v6;
	s24 =	sadd.s32 $0x80, s24  }
0x60: {  	s28 =	sadd.s32 $0x4, s28;
	v0 =	vld [tilespmem:s24+$0x30];
	[tilespmem:s25+$0x1830 ss:$0x81] =	vst.msk $0xffff, v7  }
.Ltmp4:
0x61: {  	_ = 	snop;
	(pc) =	sbr.rel .LBB1_4-.Ltmp4, $1  }
0x62: {  	_ =	sdelay $0x3  }
.LBB1_6:
0x63: {  	_ =	sfence.sel $0x180000  }
0x64: {  	s1 =	simm.s32 $0x1;
	[bflag:$0x0] =	sbarrier.arrive $0xFFFF  }
0x65: {  	s31 =	simm.s32 $0x2;
	[sflag:s1] =	ssyncpa.u1 $0x1  }
0x66: {  	[sflag:s31] =	ssyncpa.u1 $0x1  }
0x67: {  	_ =	strace $0x90000047  }
0x68: {  	[bflag:$0x2] =	sbarrier.arrive $0xFFFF  }
0x69: {  	p0 =	sne.s32 s0, $0x0;
	s0 =	rddreg [dreg:$0x2]  }
0x6a: {  	s0 =	sadd.s32 @!p0 $0x100000, s0  }
0x6b: {  	[sflag:s0] =	ssyncadd.tile.s32 @!p0 $0x1;
	_ =	shalt  }
.Lfunc_end1:
_tile_overlayer_lowered:
.L_overlay_start_2:
0x6c: {  	(tag) =	ssettag $0x2  }
0x6d: {  	s0 =	rddreg [dreg:$0x0];
	s2 =	stileid.u32  }
0x6e: {  	s1 =	rddreg [dreg:$0x1];
	p0 =	sne.s32 s2, $0x0  }
0x6f: {  	s3 =	rddreg [dreg:$0x2];
	[bflag:$0x3] =	sbarrier.arrive $0xFFFF;
	s2 =	simm.s32 @!p0 $0x1C01  }
0x70: {  	[timem:s3], [sflag:s2] =	dma.local @!p0 [hbm:s0], s1  }
0x71: {  	s0 =	simm.s32 @!p0 $0x1  }
0x72: {  	_ =	swait.ge @!p0 [sflag:s0], s1  }
0x73: {  	s1 =	ssub.s32 @!p0 $0x0, s1;
	[sflag:s0] =	ssyncset.done @!p0 $0x0  }
0x74: {  	[sflag:s0] =	ssyncadd.s32 @!p0 s1  }
0x75: {  	[bflag:$0x3] =	sbarrier.arrive $0xFFFF  }
0x76: {  	_ =	shalt  }

</sc_bundles>
